<compile_context>
chip_gen: v7x
topology: tpu7x:2x2x1
jax: 0.10.2.dev20260603
libtpu: 0.0.44.dev20260713+nightly
codegen_flags: <defaults>
</compile_context>

<pallas_src>
import functools

import jax
import jax.numpy as jnp
from jax import lax
from jax.experimental import pallas as pl
from jax.experimental.pallas import tpu as pltpu
from jax.experimental.pallas import tpu_sc as plsc

EPS = 1e-5
NC = 2
NS = 16
NW = NC * NS
CH = 128



@functools.partial(jax.jit, static_argnames=("n_pad", "k_per_w"))
def _sc_scatter(g, src2d, dst2d, zblk, *, n_pad, k_per_w):
  d = 128
  stripe = n_pad // NS
  nz = stripe // CH
  mesh = plsc.VectorSubcoreMesh(core_axis_name="c", subcore_axis_name="s")

  @functools.partial(
      pl.kernel,
      out_type=jax.ShapeDtypeStruct((NC, n_pad, d), jnp.float32),
      mesh=mesh,
      scratch_types=[
          pltpu.VMEM_SHARED((n_pad, d), jnp.float32),
          pltpu.VMEM((CH,), jnp.int32),
          pltpu.VMEM((CH,), jnp.int32),
          pltpu.VMEM((CH, d), jnp.float32),
          pltpu.VMEM((CH, d), jnp.float32),
          pltpu.SemaphoreType.DMA,
      ],
  )
  def k(g_hbm, src_hbm, dst_hbm, z_hbm, out_hbm,
        acc_sh, src_v, dst_v, rows_v, zbuf_v, sem):
    c = lax.axis_index("c")
    s = lax.axis_index("s")
    wid = s * NC + c

    pltpu.sync_copy(z_hbm, zbuf_v)
    for i in range(nz):
      pltpu.sync_copy(zbuf_v, acc_sh.at[pl.ds(s * stripe + i * CH, CH)])
    plsc.subcore_barrier()

    base = wid * k_per_w

    def step(t, carry):
      pltpu.sync_copy(src_hbm.at[base + t], src_v)
      pltpu.sync_copy(dst_hbm.at[base + t], dst_v)
      pltpu.async_copy(g_hbm.at[src_v], rows_v, sem).wait()
      pltpu.sync_copy(rows_v, acc_sh.at[dst_v], add=True)
      return carry

    lax.fori_loop(0, k_per_w, step, 0)
    plsc.subcore_barrier()

    for i in range(nz):
      r0 = s * stripe + i * CH
      pltpu.sync_copy(acc_sh.at[pl.ds(r0, CH)], rows_v)
      pltpu.sync_copy(rows_v, out_hbm.at[c, pl.ds(r0, CH)])

  return k(g, src2d, dst2d, zblk)


@functools.partial(jax.jit, static_argnames=("n_pad", "k_per_w"))
def _sc_degree(dst2d, ones_blk, zblk16, *, n_pad, k_per_w):
  d = 128
  stripe = n_pad // NS
  nz = stripe // CH
  mesh = plsc.VectorSubcoreMesh(core_axis_name="c", subcore_axis_name="s")

  @functools.partial(
      pl.kernel,
      out_type=jax.ShapeDtypeStruct((NC, n_pad, d), jnp.float32),
      mesh=mesh,
      scratch_types=[
          pltpu.VMEM_SHARED((n_pad, d), jnp.float32),
          pltpu.VMEM((CH,), jnp.int32),
          pltpu.VMEM((CH, d), jnp.float32),
          pltpu.VMEM((CH, d), jnp.float32),
      ],
  )
  def k(dst_hbm, ones_hbm, z_hbm, out_hbm, acc_sh, dst_v, ones_v, zbuf_v):
    c = lax.axis_index("c")
    s = lax.axis_index("s")
    wid = s * NC + c

    pltpu.sync_copy(z_hbm, zbuf_v)
    for i in range(nz):
      pltpu.sync_copy(zbuf_v, acc_sh.at[pl.ds(s * stripe + i * CH, CH)])
    pltpu.sync_copy(ones_hbm, ones_v)
    plsc.subcore_barrier()

    base = wid * k_per_w

    def step(t, carry):
      pltpu.sync_copy(dst_hbm.at[base + t], dst_v)
      pltpu.sync_copy(ones_v, acc_sh.at[dst_v], add=True)
      return carry

    lax.fori_loop(0, k_per_w, step, 0)
    plsc.subcore_barrier()

    for i in range(nz):
      r0 = s * stripe + i * CH
      pltpu.sync_copy(acc_sh.at[pl.ds(r0, CH)], zbuf_v)
      pltpu.sync_copy(zbuf_v, out_hbm.at[c, pl.ds(r0, CH)])

  return k(dst2d, ones_blk, zblk16)



def _tc_first_body(degp_ref, x_ref, w_ref, dis_ref, g_ref):
  n = x_ref.shape[0]
  deg = degp_ref[0, :n, 0:1] + degp_ref[1, :n, 0:1] + 1.0
  dis = lax.rsqrt(deg)
  dis_ref[...] = dis
  g_ref[...] = dis * jnp.dot(x_ref[...], w_ref[...],
                             preferred_element_type=jnp.float32)


@jax.jit
def _tc_first(degp, x, w):
  n = x.shape[0]
  return pl.pallas_call(
      _tc_first_body,
      out_shape=(
          jax.ShapeDtypeStruct((n, 1), jnp.float32),
          jax.ShapeDtypeStruct((n, w.shape[1]), jnp.float32),
      ),
  )(degp, x, w)


def _bn_relu(p_ref, g_ref, dis_ref, b_ref, gm_ref, bt_ref):
  n = g_ref.shape[0]
  t = dis_ref[...] * (p_ref[0, :n] + p_ref[1, :n] + g_ref[...]) + b_ref[...]
  mu = jnp.mean(t, axis=0, keepdims=True)
  ctr = t - mu
  var = jnp.mean(ctr * ctr, axis=0, keepdims=True)
  return jnp.maximum(ctr * lax.rsqrt(var + EPS) * gm_ref[...] + bt_ref[...],
                     0.0)


def _pool(h, batch_ref):
  nb = batch_ref.shape[1]
  m = (batch_ref[...] == lax.broadcasted_iota(jnp.int32, (128, nb), 0))
  m = m.astype(jnp.float32)
  cnt = jnp.sum(m, axis=1, keepdims=True)
  return jnp.dot(m, h, preferred_element_type=jnp.float32) / jnp.maximum(
      cnt, 1.0)


def _tc_mid_body(p_ref, g_ref, dis_ref, b_ref, gm_ref, bt_ref, wn_ref,
                 gn_ref):
  h = _bn_relu(p_ref, g_ref, dis_ref, b_ref, gm_ref, bt_ref)
  gn_ref[...] = dis_ref[...] * jnp.dot(h, wn_ref[...],
                                       preferred_element_type=jnp.float32)


@jax.jit
def _tc_mid(p, g, dis, b, gm, bt, wn):
  return pl.pallas_call(
      _tc_mid_body,
      out_shape=jax.ShapeDtypeStruct(g.shape, jnp.float32),
  )(p, g, dis, b, gm, bt, wn)


def _tc_pool_mid_body(p_ref, g_ref, dis_ref, b_ref, gm_ref, bt_ref,
                      batch_ref, wn_ref, gn_ref, pool_ref):
  h = _bn_relu(p_ref, g_ref, dis_ref, b_ref, gm_ref, bt_ref)
  pool_ref[...] = _pool(h, batch_ref)
  gn_ref[...] = dis_ref[...] * jnp.dot(h, wn_ref[...],
                                       preferred_element_type=jnp.float32)


@jax.jit
def _tc_pool_mid(p, g, dis, b, gm, bt, batch2d, wn):
  return pl.pallas_call(
      _tc_pool_mid_body,
      out_shape=(
          jax.ShapeDtypeStruct(g.shape, jnp.float32),
          jax.ShapeDtypeStruct((128, g.shape[1]), jnp.float32),
      ),
  )(p, g, dis, b, gm, bt, batch2d, wn)


def _tc_final_body(p_ref, g_ref, dis_ref, b_ref, gm_ref, bt_ref, batch_ref,
                   pool1_ref, fw_ref, fb_ref, out_ref):
  h = _bn_relu(p_ref, g_ref, dis_ref, b_ref, gm_ref, bt_ref)
  pool2 = _pool(h, batch_ref)
  fused = jnp.concatenate([pool1_ref[...], pool2], axis=1)
  out_ref[...] = jnp.maximum(
      jnp.dot(fused, fw_ref[...], preferred_element_type=jnp.float32)
      + fb_ref[...], 0.0)


@jax.jit
def _tc_final(p, g, dis, b, gm, bt, batch2d, pool1, fw, fb):
  return pl.pallas_call(
      _tc_final_body,
      out_shape=jax.ShapeDtypeStruct((128, fw.shape[1]), jnp.float32),
  )(p, g, dis, b, gm, bt, batch2d, pool1, fw, fb)



def kernel(x, edge_index, batch,
           W00, b00, g00, bt00, W01, b01, g01, bt01,
           W10, b10, g10, bt10, W11, b11, g11, bt11,
           fusion_W, fusion_b):
  n, d = x.shape
  e = edge_index.shape[1]

  k_per_w = -(-e // (NW * CH))
  e_pad = NW * k_per_w * CH
  pad = e_pad - e
  n_pad = n + (NS * CH - n % (NS * CH)) % (NS * CH) if n % (NS * CH) else n
  if n_pad - n < 1:
    n_pad += NS * CH
  trash = n_pad - n

  pad_src = jnp.arange(pad, dtype=jnp.int32) % n
  pad_dst = n + jnp.arange(pad, dtype=jnp.int32) % trash
  src2d = jnp.concatenate([edge_index[0], pad_src]).reshape(e_pad // CH, CH)
  dst2d = jnp.concatenate(
      [edge_index[1], pad_dst.astype(jnp.int32)]).reshape(e_pad // CH, CH)

  zblk = jnp.zeros((CH, d), jnp.float32)
  ones_blk = jnp.ones((CH, d), jnp.float32)
  batch2d = batch.reshape(1, n)

  degp = _sc_degree(dst2d, ones_blk, zblk, n_pad=n_pad, k_per_w=k_per_w)

  dis, g = _tc_first(degp, x, W00)

  p = _sc_scatter(g, src2d, dst2d, zblk, n_pad=n_pad, k_per_w=k_per_w)
  g = _tc_mid(p, g, dis, b00.reshape(1, -1), g00.reshape(1, -1),
              bt00.reshape(1, -1), W01)

  p = _sc_scatter(g, src2d, dst2d, zblk, n_pad=n_pad, k_per_w=k_per_w)
  g, pool1 = _tc_pool_mid(p, g, dis, b01.reshape(1, -1),
                          g01.reshape(1, -1), bt01.reshape(1, -1),
                          batch2d, W10)

  p = _sc_scatter(g, src2d, dst2d, zblk, n_pad=n_pad, k_per_w=k_per_w)
  g = _tc_mid(p, g, dis, b10.reshape(1, -1), g10.reshape(1, -1),
              bt10.reshape(1, -1), W11)

  p = _sc_scatter(g, src2d, dst2d, zblk, n_pad=n_pad, k_per_w=k_per_w)
  out = _tc_final(p, g, dis, b11.reshape(1, -1),
                  g11.reshape(1, -1), bt11.reshape(1, -1), batch2d, pool1,
                  fusion_W, fusion_b.reshape(1, -1))
  return out

# --- scband reference (transcript-rebuilt; emitter-appended) ---
"""Pipeline reference for scband-hierarchical-encoder-39075612459516 (READ-ONLY COPY).

The authoritative reference and input builder live on the scoring server;
editing this copy changes nothing except your own understanding.
"""

import jax, jax.numpy as jnp
import numpy as np

N = 10000
E = 320000
D = 128
H = 128
B = 128
LEVELS = [2, 2]
EPS = 1e-5


def setup_inputs(seed: int = 0) -> dict:
    key = jax.random.key(seed)
    ks = jax.random.split(key, 16)
    inp = {}
    inp["x"] = jax.random.normal(ks[0], (N, D), dtype=jnp.float32)
    inp["edge_index"] = jax.random.randint(ks[1], (2, E), 0, N, dtype=jnp.int32)
    inp["batch"] = jnp.sort(jax.random.randint(ks[2], (N,), 0, B, dtype=jnp.int32))
    k = 3
    for i in range(len(LEVELS)):
        for j in range(LEVELS[i]):
            inp[f"W{i}{j}"] = jax.random.normal(ks[k], (D, H), dtype=jnp.float32) * (1.0 / np.sqrt(D))
            k += 1
            inp[f"b{i}{j}"] = jnp.zeros((H,), dtype=jnp.float32)
            inp[f"g{i}{j}"] = jnp.ones((H,), dtype=jnp.float32)
            inp[f"bt{i}{j}"] = jnp.zeros((H,), dtype=jnp.float32)
    inp["fusion_W"] = jax.random.normal(ks[k], (H * len(LEVELS), H), dtype=jnp.float32) * (1.0 / np.sqrt(H * len(LEVELS)))
    inp["fusion_b"] = jnp.zeros((H,), dtype=jnp.float32)
    return inp


def _gcn_conv(h, src, dst, dis, W, b):
    # PyG GCNConv: x @ W, then D^{-1/2} A_hat D^{-1/2} aggregation (self-loops already in src/dst), + bias
    h = h @ W
    norm = dis[src] * dis[dst]
    msg = h[src] * norm[:, None]
    out = jnp.zeros((N, h.shape[1]), dtype=h.dtype).at[dst].add(msg)
    return out + b


def _batch_norm(h, g, bt):
    # BatchNorm1d in training mode: biased batch statistics over node axis
    mu = jnp.mean(h, axis=0)
    var = jnp.mean((h - mu) ** 2, axis=0)
    return (h - mu) * jax.lax.rsqrt(var + EPS) * g + bt


def _global_mean_pool(h, batch):
    sums = jax.ops.segment_sum(h, batch, num_segments=B)
    cnt = jax.ops.segment_sum(jnp.ones((N,), dtype=h.dtype), batch, num_segments=B)
    return sums / jnp.maximum(cnt, 1.0)[:, None]


def reference(x, edge_index, batch,
              W00, b00, g00, bt00, W01, b01, g01, bt01,
              W10, b10, g10, bt10, W11, b11, g11, bt11,
              fusion_W, fusion_b):
    # add self-loops once (shared across all GCN layers)
    loop = jnp.arange(N, dtype=edge_index.dtype)
    src = jnp.concatenate([edge_index[0], loop])
    dst = jnp.concatenate([edge_index[1], loop])
    deg = jnp.zeros((N,), dtype=jnp.float32).at[dst].add(1.0)
    dis = jax.lax.rsqrt(deg)  # deg >= 1 thanks to self loops

    params = [[(W00, b00, g00, bt00), (W01, b01, g01, bt01)],
              [(W10, b10, g10, bt10), (W11, b11, g11, bt11)]]

    level_reps = []
    cur = x
    for i in range(len(LEVELS)):
        h = cur
        for j in range(LEVELS[i]):
            W, b, g, bt = params[i][j]
            h = _gcn_conv(h, src, dst, dis, W, b)
            h = _batch_norm(h, g, bt)
            h = jax.nn.relu(h)
        level_reps.append(_global_mean_pool(h, batch))
        cur = h
    fused = jnp.concatenate(level_reps, axis=1)
    fused = fused @ fusion_W + fusion_b
    fused = jax.nn.relu(fused)
    # dropout is identity at inference
    return fused

if __name__ == "__main__":
    import jax
    _d = setup_inputs()
    print(jax.jit(kernel)(*tuple(_d.values())))

</pallas_src>

<mosaic_0001>
#map = affine_map<(d0, d1) -> (0, 0)>
#map1 = affine_map<(d0, d1) -> (0, 0, 0)>
module attributes {stable_mosaic.version = 14 : i64} {
  func.func @k(%arg0: i32, %arg1: i32, %arg2: memref<2528x128xi32, #tpu.memory_space<hbm>>, %arg3: memref<128x128xf32, #tpu.memory_space<hbm>>, %arg4: memref<128x128xf32, #tpu.memory_space<hbm>>, %arg5: memref<2x10240x128xf32, #tpu.memory_space<hbm>>, %arg6: memref<10240x128xf32, #tpu.memory_space<vmem_shared>>, %arg7: memref<128xi32, #tpu.memory_space<vmem>>, %arg8: memref<128x128xf32, #tpu.memory_space<vmem>>, %arg9: memref<128x128xf32, #tpu.memory_space<vmem>>) attributes {dimension_semantics = [#tpu.dimension_semantics<core_parallel>, #tpu.dimension_semantics<subcore_parallel>], iteration_bounds = array<i64: 2, 16>, scalar_prefetch = 0 : i64, scratch_operands = 4 : i64, tpu.core_type = #tpu.core_type<sc_vector_subcore>, window_params = [{transform_indices = #map}, {transform_indices = #map}, {transform_indices = #map}, {transform_indices = #map1}]} {
    %mul3A = arith.constant 2 : i32
    %mul3A_0 = arith.muli %arg1, %mul3A : i32
    %add3A = arith.addi %mul3A_0, %arg0 : i32
    "tpu.region"() ({
      %run_scoped3A = tpu.sem_alloc : memref<!tpu.dma_semaphore, #tpu.memory_space<semaphore_mem>>
      tpu.enqueue_dma source(%arg4 : memref<128x128xf32, #tpu.memory_space<hbm>>) target(%arg9 : memref<128x128xf32, #tpu.memory_space<vmem>>) target_semaphore(%run_scoped3A : memref<!tpu.dma_semaphore, #tpu.memory_space<semaphore_mem>>)
      tpu.wait_dma2 semaphore(%run_scoped3A : memref<!tpu.dma_semaphore, #tpu.memory_space<semaphore_mem>>) src(%arg4 : memref<128x128xf32, #tpu.memory_space<hbm>>) dst(%arg9 : memref<128x128xf32, #tpu.memory_space<vmem>>)
      tpu.yield
    }) : () -> ()
    %mul3A_1 = arith.constant 640 : i32
    %mul3A_2 = arith.muli %arg1, %mul3A_1 : i32
    %add3A_3 = arith.constant 0 : i32
    %add3A_4 = arith.addi %mul3A_2, %add3A_3 : i32
    "tpu.region"() ({
      %run_scoped3A = tpu.sem_alloc : memref<!tpu.dma_semaphore, #tpu.memory_space<semaphore_mem>>
      %dma_start3A = arith.constant 0 : i32
      %dma_start3A_49 = tpu.memref_slice %arg6[%add3A_4, %dma_start3A] : memref<10240x128xf32, #tpu.memory_space<vmem_shared>> -> memref<128x128xf32, #tpu.memory_space<vmem_shared>>
      %dma_start3A_50 = arith.constant 0 : i32
      %dma_start3A_51 = tpu.memref_slice %arg6[%add3A_4, %dma_start3A_50] : memref<10240x128xf32, #tpu.memory_space<vmem_shared>> -> memref<128x128xf32, #tpu.memory_space<vmem_shared>>
      tpu.enqueue_dma source(%arg9 : memref<128x128xf32, #tpu.memory_space<vmem>>) target(%dma_start3A_51 : memref<128x128xf32, #tpu.memory_space<vmem_shared>>) target_semaphore(%run_scoped3A : memref<!tpu.dma_semaphore, #tpu.memory_space<semaphore_mem>>)
      %dma_wait3A = arith.constant 0 : i32
      %dma_wait3A_52 = tpu.memref_slice %arg6[%add3A_4, %dma_wait3A] : memref<10240x128xf32, #tpu.memory_space<vmem_shared>> -> memref<128x128xf32, #tpu.memory_space<vmem_shared>>
      %dma_wait3A_53 = arith.constant 0 : i32
      %dma_wait3A_54 = tpu.memref_slice %arg6[%add3A_4, %dma_wait3A_53] : memref<10240x128xf32, #tpu.memory_space<vmem_shared>> -> memref<128x128xf32, #tpu.memory_space<vmem_shared>>
      tpu.wait_dma2 semaphore(%run_scoped3A : memref<!tpu.dma_semaphore, #tpu.memory_space<semaphore_mem>>) src(%arg9 : memref<128x128xf32, #tpu.memory_space<vmem>>) dst(%dma_wait3A_54 : memref<128x128xf32, #tpu.memory_space<vmem_shared>>)
      tpu.yield
    }) : () -> ()
    %mul3A_5 = arith.constant 640 : i32
    %mul3A_6 = arith.muli %arg1, %mul3A_5 : i32
    %add3A_7 = arith.constant 128 : i32
    %add3A_8 = arith.addi %mul3A_6, %add3A_7 : i32
    "tpu.region"() ({
      %run_scoped3A = tpu.sem_alloc : memref<!tpu.dma_semaphore, #tpu.memory_space<semaphore_mem>>
      %dma_start3A = arith.constant 0 : i32
      %dma_start3A_49 = tpu.memref_slice %arg6[%add3A_8, %dma_start3A] : memref<10240x128xf32, #tpu.memory_space<vmem_shared>> -> memref<128x128xf32, #tpu.memory_space<vmem_shared>>
      %dma_start3A_50 = arith.constant 0 : i32
      %dma_start3A_51 = tpu.memref_slice %arg6[%add3A_8, %dma_start3A_50] : memref<10240x128xf32, #tpu.memory_space<vmem_shared>> -> memref<128x128xf32, #tpu.memory_space<vmem_shared>>
      tpu.enqueue_dma source(%arg9 : memref<128x128xf32, #tpu.memory_space<vmem>>) target(%dma_start3A_51 : memref<128x128xf32, #tpu.memory_space<vmem_shared>>) target_semaphore(%run_scoped3A : memref<!tpu.dma_semaphore, #tpu.memory_space<semaphore_mem>>)
      %dma_wait3A = arith.constant 0 : i32
      %dma_wait3A_52 = tpu.memref_slice %arg6[%add3A_8, %dma_wait3A] : memref<10240x128xf32, #tpu.memory_space<vmem_shared>> -> memref<128x128xf32, #tpu.memory_space<vmem_shared>>
      %dma_wait3A_53 = arith.constant 0 : i32
      %dma_wait3A_54 = tpu.memref_slice %arg6[%add3A_8, %dma_wait3A_53] : memref<10240x128xf32, #tpu.memory_space<vmem_shared>> -> memref<128x128xf32, #tpu.memory_space<vmem_shared>>
      tpu.wait_dma2 semaphore(%run_scoped3A : memref<!tpu.dma_semaphore, #tpu.memory_space<semaphore_mem>>) src(%arg9 : memref<128x128xf32, #tpu.memory_space<vmem>>) dst(%dma_wait3A_54 : memref<128x128xf32, #tpu.memory_space<vmem_shared>>)
      tpu.yield
    }) : () -> ()
    %mul3A_9 = arith.constant 640 : i32
    %mul3A_10 = arith.muli %arg1, %mul3A_9 : i32
    %add3A_11 = arith.constant 256 : i32
    %add3A_12 = arith.addi %mul3A_10, %add3A_11 : i32
    "tpu.region"() ({
      %run_scoped3A = tpu.sem_alloc : memref<!tpu.dma_semaphore, #tpu.memory_space<semaphore_mem>>
      %dma_start3A = arith.constant 0 : i32
      %dma_start3A_49 = tpu.memref_slice %arg6[%add3A_12, %dma_start3A] : memref<10240x128xf32, #tpu.memory_space<vmem_shared>> -> memref<128x128xf32, #tpu.memory_space<vmem_shared>>
      %dma_start3A_50 = arith.constant 0 : i32
      %dma_start3A_51 = tpu.memref_slice %arg6[%add3A_12, %dma_start3A_50] : memref<10240x128xf32, #tpu.memory_space<vmem_shared>> -> memref<128x128xf32, #tpu.memory_space<vmem_shared>>
      tpu.enqueue_dma source(%arg9 : memref<128x128xf32, #tpu.memory_space<vmem>>) target(%dma_start3A_51 : memref<128x128xf32, #tpu.memory_space<vmem_shared>>) target_semaphore(%run_scoped3A : memref<!tpu.dma_semaphore, #tpu.memory_space<semaphore_mem>>)
      %dma_wait3A = arith.constant 0 : i32
      %dma_wait3A_52 = tpu.memref_slice %arg6[%add3A_12, %dma_wait3A] : memref<10240x128xf32, #tpu.memory_space<vmem_shared>> -> memref<128x128xf32, #tpu.memory_space<vmem_shared>>
      %dma_wait3A_53 = arith.constant 0 : i32
      %dma_wait3A_54 = tpu.memref_slice %arg6[%add3A_12, %dma_wait3A_53] : memref<10240x128xf32, #tpu.memory_space<vmem_shared>> -> memref<128x128xf32, #tpu.memory_space<vmem_shared>>
      tpu.wait_dma2 semaphore(%run_scoped3A : memref<!tpu.dma_semaphore, #tpu.memory_space<semaphore_mem>>) src(%arg9 : memref<128x128xf32, #tpu.memory_space<vmem>>) dst(%dma_wait3A_54 : memref<128x128xf32, #tpu.memory_space<vmem_shared>>)
      tpu.yield
    }) : () -> ()
    %mul3A_13 = arith.constant 640 : i32
    %mul3A_14 = arith.muli %arg1, %mul3A_13 : i32
    %add3A_15 = arith.constant 384 : i32
    %add3A_16 = arith.addi %mul3A_14, %add3A_15 : i32
    "tpu.region"() ({
      %run_scoped3A = tpu.sem_alloc : memref<!tpu.dma_semaphore, #tpu.memory_space<semaphore_mem>>
      %dma_start3A = arith.constant 0 : i32
      %dma_start3A_49 = tpu.memref_slice %arg6[%add3A_16, %dma_start3A] : memref<10240x128xf32, #tpu.memory_space<vmem_shared>> -> memref<128x128xf32, #tpu.memory_space<vmem_shared>>
      %dma_start3A_50 = arith.constant 0 : i32
      %dma_start3A_51 = tpu.memref_slice %arg6[%add3A_16, %dma_start3A_50] : memref<10240x128xf32, #tpu.memory_space<vmem_shared>> -> memref<128x128xf32, #tpu.memory_space<vmem_shared>>
      tpu.enqueue_dma source(%arg9 : memref<128x128xf32, #tpu.memory_space<vmem>>) target(%dma_start3A_51 : memref<128x128xf32, #tpu.memory_space<vmem_shared>>) target_semaphore(%run_scoped3A : memref<!tpu.dma_semaphore, #tpu.memory_space<semaphore_mem>>)
      %dma_wait3A = arith.constant 0 : i32
      %dma_wait3A_52 = tpu.memref_slice %arg6[%add3A_16, %dma_wait3A] : memref<10240x128xf32, #tpu.memory_space<vmem_shared>> -> memref<128x128xf32, #tpu.memory_space<vmem_shared>>
      %dma_wait3A_53 = arith.constant 0 : i32
      %dma_wait3A_54 = tpu.memref_slice %arg6[%add3A_16, %dma_wait3A_53] : memref<10240x128xf32, #tpu.memory_space<vmem_shared>> -> memref<128x128xf32, #tpu.memory_space<vmem_shared>>
      tpu.wait_dma2 semaphore(%run_scoped3A : memref<!tpu.dma_semaphore, #tpu.memory_space<semaphore_mem>>) src(%arg9 : memref<128x128xf32, #tpu.memory_space<vmem>>) dst(%dma_wait3A_54 : memref<128x128xf32, #tpu.memory_space<vmem_shared>>)
      tpu.yield
    }) : () -> ()
    %mul3A_17 = arith.constant 640 : i32
    %mul3A_18 = arith.muli %arg1, %mul3A_17 : i32
    %add3A_19 = arith.constant 512 : i32
    %add3A_20 = arith.addi %mul3A_18, %add3A_19 : i32
    "tpu.region"() ({
      %run_scoped3A = tpu.sem_alloc : memref<!tpu.dma_semaphore, #tpu.memory_space<semaphore_mem>>
      %dma_start3A = arith.constant 0 : i32
      %dma_start3A_49 = tpu.memref_slice %arg6[%add3A_20, %dma_start3A] : memref<10240x128xf32, #tpu.memory_space<vmem_shared>> -> memref<128x128xf32, #tpu.memory_space<vmem_shared>>
      %dma_start3A_50 = arith.constant 0 : i32
      %dma_start3A_51 = tpu.memref_slice %arg6[%add3A_20, %dma_start3A_50] : memref<10240x128xf32, #tpu.memory_space<vmem_shared>> -> memref<128x128xf32, #tpu.memory_space<vmem_shared>>
      tpu.enqueue_dma source(%arg9 : memref<128x128xf32, #tpu.memory_space<vmem>>) target(%dma_start3A_51 : memref<128x128xf32, #tpu.memory_space<vmem_shared>>) target_semaphore(%run_scoped3A : memref<!tpu.dma_semaphore, #tpu.memory_space<semaphore_mem>>)
      %dma_wait3A = arith.constant 0 : i32
      %dma_wait3A_52 = tpu.memref_slice %arg6[%add3A_20, %dma_wait3A] : memref<10240x128xf32, #tpu.memory_space<vmem_shared>> -> memref<128x128xf32, #tpu.memory_space<vmem_shared>>
      %dma_wait3A_53 = arith.constant 0 : i32
      %dma_wait3A_54 = tpu.memref_slice %arg6[%add3A_20, %dma_wait3A_53] : memref<10240x128xf32, #tpu.memory_space<vmem_shared>> -> memref<128x128xf32, #tpu.memory_space<vmem_shared>>
      tpu.wait_dma2 semaphore(%run_scoped3A : memref<!tpu.dma_semaphore, #tpu.memory_space<semaphore_mem>>) src(%arg9 : memref<128x128xf32, #tpu.memory_space<vmem>>) dst(%dma_wait3A_54 : memref<128x128xf32, #tpu.memory_space<vmem_shared>>)
      tpu.yield
    }) : () -> ()
    "tpu.region"() ({
      %run_scoped3A = tpu.sem_alloc : memref<!tpu.dma_semaphore, #tpu.memory_space<semaphore_mem>>
      tpu.enqueue_dma source(%arg3 : memref<128x128xf32, #tpu.memory_space<hbm>>) target(%arg8 : memref<128x128xf32, #tpu.memory_space<vmem>>) target_semaphore(%run_scoped3A : memref<!tpu.dma_semaphore, #tpu.memory_space<semaphore_mem>>)
      tpu.wait_dma2 semaphore(%run_scoped3A : memref<!tpu.dma_semaphore, #tpu.memory_space<semaphore_mem>>) src(%arg3 : memref<128x128xf32, #tpu.memory_space<hbm>>) dst(%arg8 : memref<128x128xf32, #tpu.memory_space<vmem>>)
      tpu.yield
    }) : () -> ()
    %barrier3A = arith.constant 0 : index
    tpu.barrier barrier_id(%barrier3A)
    %mul3A_21 = arith.constant 79 : i32
    %mul3A_22 = arith.muli %add3A, %mul3A_21 : i32
    %scan3A = arith.constant 0 : i32
    %scan3A_23 = arith.constant 0 : i32
    %scan3A_24 = arith.constant 79 : i32
    %scan3A_25 = arith.addi %scan3A_23, %scan3A_24 : i32
    %scan3A_26 = arith.constant 1 : i32
    scf.for %scan3A_49 = %scan3A_23 to %scan3A_25 step %scan3A_26  : i32 {
      %add3A_50 = arith.addi %mul3A_22, %scan3A_49 : i32
      "tpu.region"() ({
        %run_scoped3A = tpu.sem_alloc : memref<!tpu.dma_semaphore, #tpu.memory_space<semaphore_mem>>
        %dma_start3A = arith.constant 0 : i32
        %dma_start3A_51 = tpu.memref_slice %arg2[%add3A_50, %dma_start3A] : memref<2528x128xi32, #tpu.memory_space<hbm>> -> memref<1x128xi32, #tpu.memory_space<hbm>>
        %dma_start3A_52 = tpu.memref_squeeze %dma_start3A_51 : memref<1x128xi32, #tpu.memory_space<hbm>> -> memref<128xi32, #tpu.memory_space<hbm>>
        %dma_start3A_53 = arith.constant 0 : i32
        %dma_start3A_54 = tpu.memref_slice %arg2[%add3A_50, %dma_start3A_53] : memref<2528x128xi32, #tpu.memory_space<hbm>> -> memref<1x128xi32, #tpu.memory_space<hbm>>
        %dma_start3A_55 = tpu.memref_squeeze %dma_start3A_54 : memref<1x128xi32, #tpu.memory_space<hbm>> -> memref<128xi32, #tpu.memory_space<hbm>>
        tpu.enqueue_dma source(%dma_start3A_55 : memref<128xi32, #tpu.memory_space<hbm>>) target(%arg7 : memref<128xi32, #tpu.memory_space<vmem>>) target_semaphore(%run_scoped3A : memref<!tpu.dma_semaphore, #tpu.memory_space<semaphore_mem>>)
        %dma_wait3A = arith.constant 0 : i32
        %dma_wait3A_56 = tpu.memref_slice %arg2[%add3A_50, %dma_wait3A] : memref<2528x128xi32, #tpu.memory_space<hbm>> -> memref<1x128xi32, #tpu.memory_space<hbm>>
        %dma_wait3A_57 = tpu.memref_squeeze %dma_wait3A_56 : memref<1x128xi32, #tpu.memory_space<hbm>> -> memref<128xi32, #tpu.memory_space<hbm>>
        %dma_wait3A_58 = arith.constant 0 : i32
        %dma_wait3A_59 = tpu.memref_slice %arg2[%add3A_50, %dma_wait3A_58] : memref<2528x128xi32, #tpu.memory_space<hbm>> -> memref<1x128xi32, #tpu.memory_space<hbm>>
        %dma_wait3A_60 = tpu.memref_squeeze %dma_wait3A_59 : memref<1x128xi32, #tpu.memory_space<hbm>> -> memref<128xi32, #tpu.memory_space<hbm>>
        tpu.wait_dma2 semaphore(%run_scoped3A : memref<!tpu.dma_semaphore, #tpu.memory_space<semaphore_mem>>) src(%dma_wait3A_60 : memref<128xi32, #tpu.memory_space<hbm>>) dst(%arg7 : memref<128xi32, #tpu.memory_space<vmem>>)
        tpu.yield
      }) : () -> ()
      "tpu.region"() ({
        %run_scoped3A = tpu.sem_alloc : memref<!tpu.dma_semaphore, #tpu.memory_space<semaphore_mem>>
        %dma_start3A = arith.constant 0 : i32
        %dma_start3A_51 = arith.constant 0 : i32
        %dma_start3A_52 = tpu.memref_slice %arg6[%dma_start3A, %dma_start3A_51] : memref<10240x128xf32, #tpu.memory_space<vmem_shared>> -> memref<10240x128xf32, #tpu.memory_space<vmem_shared>>
        tpu.enqueue_indirect_dma source(%arg8 : memref<128x128xf32, #tpu.memory_space<vmem>>) target(%dma_start3A_52 : memref<10240x128xf32, #tpu.memory_space<vmem_shared>>) offsets(%arg7 : memref<128xi32, #tpu.memory_space<vmem>>) semaphore(%run_scoped3A : memref<!tpu.dma_semaphore, #tpu.memory_space<semaphore_mem>>) {add = true}
        %dma_wait3A = arith.constant 0 : i32
        %dma_wait3A_53 = arith.constant 0 : i32
        %dma_wait3A_54 = tpu.memref_slice %arg6[%dma_wait3A, %dma_wait3A_53] : memref<10240x128xf32, #tpu.memory_space<vmem_shared>> -> memref<10240x128xf32, #tpu.memory_space<vmem_shared>>
        tpu.wait_indirect_dma semaphore(%run_scoped3A : memref<!tpu.dma_semaphore, #tpu.memory_space<semaphore_mem>>) src(%arg8 : memref<128x128xf32, #tpu.memory_space<vmem>>) dst(%dma_wait3A_54 : memref<10240x128xf32, #tpu.memory_space<vmem_shared>>)
        tpu.yield
      }) : () -> ()
    }
    %scan3A_27 = arith.constant 79 : i32
    %barrier3A_28 = arith.constant 0 : index
    tpu.barrier barrier_id(%barrier3A_28)
    %mul3A_29 = arith.constant 640 : i32
    %mul3A_30 = arith.muli %arg1, %mul3A_29 : i32
    %add3A_31 = arith.constant 0 : i32
    %add3A_32 = arith.addi %mul3A_30, %add3A_31 : i32
    "tpu.region"() ({
      %run_scoped3A = tpu.sem_alloc : memref<!tpu.dma_semaphore, #tpu.memory_space<semaphore_mem>>
      %dma_start3A = arith.constant 0 : i32
      %dma_start3A_49 = tpu.memref_slice %arg6[%add3A_32, %dma_start3A] : memref<10240x128xf32, #tpu.memory_space<vmem_shared>> -> memref<128x128xf32, #tpu.memory_space<vmem_shared>>
      %dma_start3A_50 = arith.constant 0 : i32
      %dma_start3A_51 = tpu.memref_slice %arg6[%add3A_32, %dma_start3A_50] : memref<10240x128xf32, #tpu.memory_space<vmem_shared>> -> memref<128x128xf32, #tpu.memory_space<vmem_shared>>
      tpu.enqueue_dma source(%dma_start3A_51 : memref<128x128xf32, #tpu.memory_space<vmem_shared>>) target(%arg9 : memref<128x128xf32, #tpu.memory_space<vmem>>) target_semaphore(%run_scoped3A : memref<!tpu.dma_semaphore, #tpu.memory_space<semaphore_mem>>)
      %dma_wait3A = arith.constant 0 : i32
      %dma_wait3A_52 = tpu.memref_slice %arg6[%add3A_32, %dma_wait3A] : memref<10240x128xf32, #tpu.memory_space<vmem_shared>> -> memref<128x128xf32, #tpu.memory_space<vmem_shared>>
      %dma_wait3A_53 = arith.constant 0 : i32
      %dma_wait3A_54 = tpu.memref_slice %arg6[%add3A_32, %dma_wait3A_53] : memref<10240x128xf32, #tpu.memory_space<vmem_shared>> -> memref<128x128xf32, #tpu.memory_space<vmem_shared>>
      tpu.wait_dma2 semaphore(%run_scoped3A : memref<!tpu.dma_semaphore, #tpu.memory_space<semaphore_mem>>) src(%dma_wait3A_54 : memref<128x128xf32, #tpu.memory_space<vmem_shared>>) dst(%arg9 : memref<128x128xf32, #tpu.memory_space<vmem>>)
      tpu.yield
    }) : () -> ()
    "tpu.region"() ({
      %run_scoped3A = tpu.sem_alloc : memref<!tpu.dma_semaphore, #tpu.memory_space<semaphore_mem>>
      %dma_start3A = arith.constant 0 : i32
      %dma_start3A_49 = tpu.memref_slice %arg5[%arg0, %add3A_32, %dma_start3A] : memref<2x10240x128xf32, #tpu.memory_space<hbm>> -> memref<1x128x128xf32, #tpu.memory_space<hbm>>
      %dma_start3A_50 = tpu.memref_squeeze %dma_start3A_49 : memref<1x128x128xf32, #tpu.memory_space<hbm>> -> memref<128x128xf32, #tpu.memory_space<hbm>>
      %dma_start3A_51 = arith.constant 0 : i32
      %dma_start3A_52 = tpu.memref_slice %arg5[%arg0, %add3A_32, %dma_start3A_51] : memref<2x10240x128xf32, #tpu.memory_space<hbm>> -> memref<1x128x128xf32, #tpu.memory_space<hbm>>
      %dma_start3A_53 = tpu.memref_squeeze %dma_start3A_52 : memref<1x128x128xf32, #tpu.memory_space<hbm>> -> memref<128x128xf32, #tpu.memory_space<hbm>>
      tpu.enqueue_dma source(%arg9 : memref<128x128xf32, #tpu.memory_space<vmem>>) target(%dma_start3A_53 : memref<128x128xf32, #tpu.memory_space<hbm>>) target_semaphore(%run_scoped3A : memref<!tpu.dma_semaphore, #tpu.memory_space<semaphore_mem>>)
      %dma_wait3A = arith.constant 0 : i32
      %dma_wait3A_54 = tpu.memref_slice %arg5[%arg0, %add3A_32, %dma_wait3A] : memref<2x10240x128xf32, #tpu.memory_space<hbm>> -> memref<1x128x128xf32, #tpu.memory_space<hbm>>
      %dma_wait3A_55 = tpu.memref_squeeze %dma_wait3A_54 : memref<1x128x128xf32, #tpu.memory_space<hbm>> -> memref<128x128xf32, #tpu.memory_space<hbm>>
      %dma_wait3A_56 = arith.constant 0 : i32
      %dma_wait3A_57 = tpu.memref_slice %arg5[%arg0, %add3A_32, %dma_wait3A_56] : memref<2x10240x128xf32, #tpu.memory_space<hbm>> -> memref<1x128x128xf32, #tpu.memory_space<hbm>>
      %dma_wait3A_58 = tpu.memref_squeeze %dma_wait3A_57 : memref<1x128x128xf32, #tpu.memory_space<hbm>> -> memref<128x128xf32, #tpu.memory_space<hbm>>
      tpu.wait_dma2 semaphore(%run_scoped3A : memref<!tpu.dma_semaphore, #tpu.memory_space<semaphore_mem>>) src(%arg9 : memref<128x128xf32, #tpu.memory_space<vmem>>) dst(%dma_wait3A_58 : memref<128x128xf32, #tpu.memory_space<hbm>>)
      tpu.yield
    }) : () -> ()
    %mul3A_33 = arith.constant 640 : i32
    %mul3A_34 = arith.muli %arg1, %mul3A_33 : i32
    %add3A_35 = arith.constant 128 : i32
    %add3A_36 = arith.addi %mul3A_34, %add3A_35 : i32
    "tpu.region"() ({
      %run_scoped3A = tpu.sem_alloc : memref<!tpu.dma_semaphore, #tpu.memory_space<semaphore_mem>>
      %dma_start3A = arith.constant 0 : i32
      %dma_start3A_49 = tpu.memref_slice %arg6[%add3A_36, %dma_start3A] : memref<10240x128xf32, #tpu.memory_space<vmem_shared>> -> memref<128x128xf32, #tpu.memory_space<vmem_shared>>
      %dma_start3A_50 = arith.constant 0 : i32
      %dma_start3A_51 = tpu.memref_slice %arg6[%add3A_36, %dma_start3A_50] : memref<10240x128xf32, #tpu.memory_space<vmem_shared>> -> memref<128x128xf32, #tpu.memory_space<vmem_shared>>
      tpu.enqueue_dma source(%dma_start3A_51 : memref<128x128xf32, #tpu.memory_space<vmem_shared>>) target(%arg9 : memref<128x128xf32, #tpu.memory_space<vmem>>) target_semaphore(%run_scoped3A : memref<!tpu.dma_semaphore, #tpu.memory_space<semaphore_mem>>)
      %dma_wait3A = arith.constant 0 : i32
      %dma_wait3A_52 = tpu.memref_slice %arg6[%add3A_36, %dma_wait3A] : memref<10240x128xf32, #tpu.memory_space<vmem_shared>> -> memref<128x128xf32, #tpu.memory_space<vmem_shared>>
      %dma_wait3A_53 = arith.constant 0 : i32
      %dma_wait3A_54 = tpu.memref_slice %arg6[%add3A_36, %dma_wait3A_53] : memref<10240x128xf32, #tpu.memory_space<vmem_shared>> -> memref<128x128xf32, #tpu.memory_space<vmem_shared>>
      tpu.wait_dma2 semaphore(%run_scoped3A : memref<!tpu.dma_semaphore, #tpu.memory_space<semaphore_mem>>) src(%dma_wait3A_54 : memref<128x128xf32, #tpu.memory_space<vmem_shared>>) dst(%arg9 : memref<128x128xf32, #tpu.memory_space<vmem>>)
      tpu.yield
    }) : () -> ()
    "tpu.region"() ({
      %run_scoped3A = tpu.sem_alloc : memref<!tpu.dma_semaphore, #tpu.memory_space<semaphore_mem>>
      %dma_start3A = arith.constant 0 : i32
      %dma_start3A_49 = tpu.memref_slice %arg5[%arg0, %add3A_36, %dma_start3A] : memref<2x10240x128xf32, #tpu.memory_space<hbm>> -> memref<1x128x128xf32, #tpu.memory_space<hbm>>
      %dma_start3A_50 = tpu.memref_squeeze %dma_start3A_49 : memref<1x128x128xf32, #tpu.memory_space<hbm>> -> memref<128x128xf32, #tpu.memory_space<hbm>>
      %dma_start3A_51 = arith.constant 0 : i32
      %dma_start3A_52 = tpu.memref_slice %arg5[%arg0, %add3A_36, %dma_start3A_51] : memref<2x10240x128xf32, #tpu.memory_space<hbm>> -> memref<1x128x128xf32, #tpu.memory_space<hbm>>
      %dma_start3A_53 = tpu.memref_squeeze %dma_start3A_52 : memref<1x128x128xf32, #tpu.memory_space<hbm>> -> memref<128x128xf32, #tpu.memory_space<hbm>>
      tpu.enqueue_dma source(%arg9 : memref<128x128xf32, #tpu.memory_space<vmem>>) target(%dma_start3A_53 : memref<128x128xf32, #tpu.memory_space<hbm>>) target_semaphore(%run_scoped3A : memref<!tpu.dma_semaphore, #tpu.memory_space<semaphore_mem>>)
      %dma_wait3A = arith.constant 0 : i32
      %dma_wait3A_54 = tpu.memref_slice %arg5[%arg0, %add3A_36, %dma_wait3A] : memref<2x10240x128xf32, #tpu.memory_space<hbm>> -> memref<1x128x128xf32, #tpu.memory_space<hbm>>
      %dma_wait3A_55 = tpu.memref_squeeze %dma_wait3A_54 : memref<1x128x128xf32, #tpu.memory_space<hbm>> -> memref<128x128xf32, #tpu.memory_space<hbm>>
      %dma_wait3A_56 = arith.constant 0 : i32
      %dma_wait3A_57 = tpu.memref_slice %arg5[%arg0, %add3A_36, %dma_wait3A_56] : memref<2x10240x128xf32, #tpu.memory_space<hbm>> -> memref<1x128x128xf32, #tpu.memory_space<hbm>>
      %dma_wait3A_58 = tpu.memref_squeeze %dma_wait3A_57 : memref<1x128x128xf32, #tpu.memory_space<hbm>> -> memref<128x128xf32, #tpu.memory_space<hbm>>
      tpu.wait_dma2 semaphore(%run_scoped3A : memref<!tpu.dma_semaphore, #tpu.memory_space<semaphore_mem>>) src(%arg9 : memref<128x128xf32, #tpu.memory_space<vmem>>) dst(%dma_wait3A_58 : memref<128x128xf32, #tpu.memory_space<hbm>>)
      tpu.yield
    }) : () -> ()
    %mul3A_37 = arith.constant 640 : i32
    %mul3A_38 = arith.muli %arg1, %mul3A_37 : i32
    %add3A_39 = arith.constant 256 : i32
    %add3A_40 = arith.addi %mul3A_38, %add3A_39 : i32
    "tpu.region"() ({
      %run_scoped3A = tpu.sem_alloc : memref<!tpu.dma_semaphore, #tpu.memory_space<semaphore_mem>>
      %dma_start3A = arith.constant 0 : i32
      %dma_start3A_49 = tpu.memref_slice %arg6[%add3A_40, %dma_start3A] : memref<10240x128xf32, #tpu.memory_space<vmem_shared>> -> memref<128x128xf32, #tpu.memory_space<vmem_shared>>
      %dma_start3A_50 = arith.constant 0 : i32
      %dma_start3A_51 = tpu.memref_slice %arg6[%add3A_40, %dma_start3A_50] : memref<10240x128xf32, #tpu.memory_space<vmem_shared>> -> memref<128x128xf32, #tpu.memory_space<vmem_shared>>
      tpu.enqueue_dma source(%dma_start3A_51 : memref<128x128xf32, #tpu.memory_space<vmem_shared>>) target(%arg9 : memref<128x128xf32, #tpu.memory_space<vmem>>) target_semaphore(%run_scoped3A : memref<!tpu.dma_semaphore, #tpu.memory_space<semaphore_mem>>)
      %dma_wait3A = arith.constant 0 : i32
      %dma_wait3A_52 = tpu.memref_slice %arg6[%add3A_40, %dma_wait3A] : memref<10240x128xf32, #tpu.memory_space<vmem_shared>> -> memref<128x128xf32, #tpu.memory_space<vmem_shared>>
      %dma_wait3A_53 = arith.constant 0 : i32
      %dma_wait3A_54 = tpu.memref_slice %arg6[%add3A_40, %dma_wait3A_53] : memref<10240x128xf32, #tpu.memory_space<vmem_shared>> -> memref<128x128xf32, #tpu.memory_space<vmem_shared>>
      tpu.wait_dma2 semaphore(%run_scoped3A : memref<!tpu.dma_semaphore, #tpu.memory_space<semaphore_mem>>) src(%dma_wait3A_54 : memref<128x128xf32, #tpu.memory_space<vmem_shared>>) dst(%arg9 : memref<128x128xf32, #tpu.memory_space<vmem>>)
      tpu.yield
    }) : () -> ()
    "tpu.region"() ({
      %run_scoped3A = tpu.sem_alloc : memref<!tpu.dma_semaphore, #tpu.memory_space<semaphore_mem>>
      %dma_start3A = arith.constant 0 : i32
      %dma_start3A_49 = tpu.memref_slice %arg5[%arg0, %add3A_40, %dma_start3A] : memref<2x10240x128xf32, #tpu.memory_space<hbm>> -> memref<1x128x128xf32, #tpu.memory_space<hbm>>
      %dma_start3A_50 = tpu.memref_squeeze %dma_start3A_49 : memref<1x128x128xf32, #tpu.memory_space<hbm>> -> memref<128x128xf32, #tpu.memory_space<hbm>>
      %dma_start3A_51 = arith.constant 0 : i32
      %dma_start3A_52 = tpu.memref_slice %arg5[%arg0, %add3A_40, %dma_start3A_51] : memref<2x10240x128xf32, #tpu.memory_space<hbm>> -> memref<1x128x128xf32, #tpu.memory_space<hbm>>
      %dma_start3A_53 = tpu.memref_squeeze %dma_start3A_52 : memref<1x128x128xf32, #tpu.memory_space<hbm>> -> memref<128x128xf32, #tpu.memory_space<hbm>>
      tpu.enqueue_dma source(%arg9 : memref<128x128xf32, #tpu.memory_space<vmem>>) target(%dma_start3A_53 : memref<128x128xf32, #tpu.memory_space<hbm>>) target_semaphore(%run_scoped3A : memref<!tpu.dma_semaphore, #tpu.memory_space<semaphore_mem>>)
      %dma_wait3A = arith.constant 0 : i32
      %dma_wait3A_54 = tpu.memref_slice %arg5[%arg0, %add3A_40, %dma_wait3A] : memref<2x10240x128xf32, #tpu.memory_space<hbm>> -> memref<1x128x128xf32, #tpu.memory_space<hbm>>
      %dma_wait3A_55 = tpu.memref_squeeze %dma_wait3A_54 : memref<1x128x128xf32, #tpu.memory_space<hbm>> -> memref<128x128xf32, #tpu.memory_space<hbm>>
      %dma_wait3A_56 = arith.constant 0 : i32
      %dma_wait3A_57 = tpu.memref_slice %arg5[%arg0, %add3A_40, %dma_wait3A_56] : memref<2x10240x128xf32, #tpu.memory_space<hbm>> -> memref<1x128x128xf32, #tpu.memory_space<hbm>>
      %dma_wait3A_58 = tpu.memref_squeeze %dma_wait3A_57 : memref<1x128x128xf32, #tpu.memory_space<hbm>> -> memref<128x128xf32, #tpu.memory_space<hbm>>
      tpu.wait_dma2 semaphore(%run_scoped3A : memref<!tpu.dma_semaphore, #tpu.memory_space<semaphore_mem>>) src(%arg9 : memref<128x128xf32, #tpu.memory_space<vmem>>) dst(%dma_wait3A_58 : memref<128x128xf32, #tpu.memory_space<hbm>>)
      tpu.yield
    }) : () -> ()
    %mul3A_41 = arith.constant 640 : i32
    %mul3A_42 = arith.muli %arg1, %mul3A_41 : i32
    %add3A_43 = arith.constant 384 : i32
    %add3A_44 = arith.addi %mul3A_42, %add3A_43 : i32
    "tpu.region"() ({
      %run_scoped3A = tpu.sem_alloc : memref<!tpu.dma_semaphore, #tpu.memory_space<semaphore_mem>>
      %dma_start3A = arith.constant 0 : i32
      %dma_start3A_49 = tpu.memref_slice %arg6[%add3A_44, %dma_start3A] : memref<10240x128xf32, #tpu.memory_space<vmem_shared>> -> memref<128x128xf32, #tpu.memory_space<vmem_shared>>
      %dma_start3A_50 = arith.constant 0 : i32
      %dma_start3A_51 = tpu.memref_slice %arg6[%add3A_44, %dma_start3A_50] : memref<10240x128xf32, #tpu.memory_space<vmem_shared>> -> memref<128x128xf32, #tpu.memory_space<vmem_shared>>
      tpu.enqueue_dma source(%dma_start3A_51 : memref<128x128xf32, #tpu.memory_space<vmem_shared>>) target(%arg9 : memref<128x128xf32, #tpu.memory_space<vmem>>) target_semaphore(%run_scoped3A : memref<!tpu.dma_semaphore, #tpu.memory_space<semaphore_mem>>)
      %dma_wait3A = arith.constant 0 : i32
      %dma_wait3A_52 = tpu.memref_slice %arg6[%add3A_44, %dma_wait3A] : memref<10240x128xf32, #tpu.memory_space<vmem_shared>> -> memref<128x128xf32, #tpu.memory_space<vmem_shared>>
      %dma_wait3A_53 = arith.constant 0 : i32
      %dma_wait3A_54 = tpu.memref_slice %arg6[%add3A_44, %dma_wait3A_53] : memref<10240x128xf32, #tpu.memory_space<vmem_shared>> -> memref<128x128xf32, #tpu.memory_space<vmem_shared>>
      tpu.wait_dma2 semaphore(%run_scoped3A : memref<!tpu.dma_semaphore, #tpu.memory_space<semaphore_mem>>) src(%dma_wait3A_54 : memref<128x128xf32, #tpu.memory_space<vmem_shared>>) dst(%arg9 : memref<128x128xf32, #tpu.memory_space<vmem>>)
      tpu.yield
    }) : () -> ()
    "tpu.region"() ({
      %run_scoped3A = tpu.sem_alloc : memref<!tpu.dma_semaphore, #tpu.memory_space<semaphore_mem>>
      %dma_start3A = arith.constant 0 : i32
      %dma_start3A_49 = tpu.memref_slice %arg5[%arg0, %add3A_44, %dma_start3A] : memref<2x10240x128xf32, #tpu.memory_space<hbm>> -> memref<1x128x128xf32, #tpu.memory_space<hbm>>
      %dma_start3A_50 = tpu.memref_squeeze %dma_start3A_49 : memref<1x128x128xf32, #tpu.memory_space<hbm>> -> memref<128x128xf32, #tpu.memory_space<hbm>>
      %dma_start3A_51 = arith.constant 0 : i32
      %dma_start3A_52 = tpu.memref_slice %arg5[%arg0, %add3A_44, %dma_start3A_51] : memref<2x10240x128xf32, #tpu.memory_space<hbm>> -> memref<1x128x128xf32, #tpu.memory_space<hbm>>
      %dma_start3A_53 = tpu.memref_squeeze %dma_start3A_52 : memref<1x128x128xf32, #tpu.memory_space<hbm>> -> memref<128x128xf32, #tpu.memory_space<hbm>>
      tpu.enqueue_dma source(%arg9 : memref<128x128xf32, #tpu.memory_space<vmem>>) target(%dma_start3A_53 : memref<128x128xf32, #tpu.memory_space<hbm>>) target_semaphore(%run_scoped3A : memref<!tpu.dma_semaphore, #tpu.memory_space<semaphore_mem>>)
      %dma_wait3A = arith.constant 0 : i32
      %dma_wait3A_54 = tpu.memref_slice %arg5[%arg0, %add3A_44, %dma_wait3A] : memref<2x10240x128xf32, #tpu.memory_space<hbm>> -> memref<1x128x128xf32, #tpu.memory_space<hbm>>
      %dma_wait3A_55 = tpu.memref_squeeze %dma_wait3A_54 : memref<1x128x128xf32, #tpu.memory_space<hbm>> -> memref<128x128xf32, #tpu.memory_space<hbm>>
      %dma_wait3A_56 = arith.constant 0 : i32
      %dma_wait3A_57 = tpu.memref_slice %arg5[%arg0, %add3A_44, %dma_wait3A_56] : memref<2x10240x128xf32, #tpu.memory_space<hbm>> -> memref<1x128x128xf32, #tpu.memory_space<hbm>>
      %dma_wait3A_58 = tpu.memref_squeeze %dma_wait3A_57 : memref<1x128x128xf32, #tpu.memory_space<hbm>> -> memref<128x128xf32, #tpu.memory_space<hbm>>
      tpu.wait_dma2 semaphore(%run_scoped3A : memref<!tpu.dma_semaphore, #tpu.memory_space<semaphore_mem>>) src(%arg9 : memref<128x128xf32, #tpu.memory_space<vmem>>) dst(%dma_wait3A_58 : memref<128x128xf32, #tpu.memory_space<hbm>>)
      tpu.yield
    }) : () -> ()
    %mul3A_45 = arith.constant 640 : i32
    %mul3A_46 = arith.muli %arg1, %mul3A_45 : i32
    %add3A_47 = arith.constant 512 : i32
    %add3A_48 = arith.addi %mul3A_46, %add3A_47 : i32
    "tpu.region"() ({
      %run_scoped3A = tpu.sem_alloc : memref<!tpu.dma_semaphore, #tpu.memory_space<semaphore_mem>>
      %dma_start3A = arith.constant 0 : i32
      %dma_start3A_49 = tpu.memref_slice %arg6[%add3A_48, %dma_start3A] : memref<10240x128xf32, #tpu.memory_space<vmem_shared>> -> memref<128x128xf32, #tpu.memory_space<vmem_shared>>
      %dma_start3A_50 = arith.constant 0 : i32
      %dma_start3A_51 = tpu.memref_slice %arg6[%add3A_48, %dma_start3A_50] : memref<10240x128xf32, #tpu.memory_space<vmem_shared>> -> memref<128x128xf32, #tpu.memory_space<vmem_shared>>
      tpu.enqueue_dma source(%dma_start3A_51 : memref<128x128xf32, #tpu.memory_space<vmem_shared>>) target(%arg9 : memref<128x128xf32, #tpu.memory_space<vmem>>) target_semaphore(%run_scoped3A : memref<!tpu.dma_semaphore, #tpu.memory_space<semaphore_mem>>)
      %dma_wait3A = arith.constant 0 : i32
      %dma_wait3A_52 = tpu.memref_slice %arg6[%add3A_48, %dma_wait3A] : memref<10240x128xf32, #tpu.memory_space<vmem_shared>> -> memref<128x128xf32, #tpu.memory_space<vmem_shared>>
      %dma_wait3A_53 = arith.constant 0 : i32
      %dma_wait3A_54 = tpu.memref_slice %arg6[%add3A_48, %dma_wait3A_53] : memref<10240x128xf32, #tpu.memory_space<vmem_shared>> -> memref<128x128xf32, #tpu.memory_space<vmem_shared>>
      tpu.wait_dma2 semaphore(%run_scoped3A : memref<!tpu.dma_semaphore, #tpu.memory_space<semaphore_mem>>) src(%dma_wait3A_54 : memref<128x128xf32, #tpu.memory_space<vmem_shared>>) dst(%arg9 : memref<128x128xf32, #tpu.memory_space<vmem>>)
      tpu.yield
    }) : () -> ()
    "tpu.region"() ({
      %run_scoped3A = tpu.sem_alloc : memref<!tpu.dma_semaphore, #tpu.memory_space<semaphore_mem>>
      %dma_start3A = arith.constant 0 : i32
      %dma_start3A_49 = tpu.memref_slice %arg5[%arg0, %add3A_48, %dma_start3A] : memref<2x10240x128xf32, #tpu.memory_space<hbm>> -> memref<1x128x128xf32, #tpu.memory_space<hbm>>
      %dma_start3A_50 = tpu.memref_squeeze %dma_start3A_49 : memref<1x128x128xf32, #tpu.memory_space<hbm>> -> memref<128x128xf32, #tpu.memory_space<hbm>>
      %dma_start3A_51 = arith.constant 0 : i32
      %dma_start3A_52 = tpu.memref_slice %arg5[%arg0, %add3A_48, %dma_start3A_51] : memref<2x10240x128xf32, #tpu.memory_space<hbm>> -> memref<1x128x128xf32, #tpu.memory_space<hbm>>
      %dma_start3A_53 = tpu.memref_squeeze %dma_start3A_52 : memref<1x128x128xf32, #tpu.memory_space<hbm>> -> memref<128x128xf32, #tpu.memory_space<hbm>>
      tpu.enqueue_dma source(%arg9 : memref<128x128xf32, #tpu.memory_space<vmem>>) target(%dma_start3A_53 : memref<128x128xf32, #tpu.memory_space<hbm>>) target_semaphore(%run_scoped3A : memref<!tpu.dma_semaphore, #tpu.memory_space<semaphore_mem>>)
      %dma_wait3A = arith.constant 0 : i32
      %dma_wait3A_54 = tpu.memref_slice %arg5[%arg0, %add3A_48, %dma_wait3A] : memref<2x10240x128xf32, #tpu.memory_space<hbm>> -> memref<1x128x128xf32, #tpu.memory_space<hbm>>
      %dma_wait3A_55 = tpu.memref_squeeze %dma_wait3A_54 : memref<1x128x128xf32, #tpu.memory_space<hbm>> -> memref<128x128xf32, #tpu.memory_space<hbm>>
      %dma_wait3A_56 = arith.constant 0 : i32
      %dma_wait3A_57 = tpu.memref_slice %arg5[%arg0, %add3A_48, %dma_wait3A_56] : memref<2x10240x128xf32, #tpu.memory_space<hbm>> -> memref<1x128x128xf32, #tpu.memory_space<hbm>>
      %dma_wait3A_58 = tpu.memref_squeeze %dma_wait3A_57 : memref<1x128x128xf32, #tpu.memory_space<hbm>> -> memref<128x128xf32, #tpu.memory_space<hbm>>
      tpu.wait_dma2 semaphore(%run_scoped3A : memref<!tpu.dma_semaphore, #tpu.memory_space<semaphore_mem>>) src(%arg9 : memref<128x128xf32, #tpu.memory_space<vmem>>) dst(%dma_wait3A_58 : memref<128x128xf32, #tpu.memory_space<hbm>>)
      tpu.yield
    }) : () -> ()
    return
  }
}

</mosaic_0001>

<sc_bundles>
// kernel: _sc_degree.3.cloned.1.call-start
scs
__scs_entry_jumppad:
0x0: {  	(pc) =	sbr.rel $0x88, $3  }
0x1: {  	(tag) =	ssettag $0x0;
	lr =	simm.s32 $0x1  }
0x2: {  	[smem:$0x3F9E] =	sst lr;
	_ =	strace $0xD0000000  }
0x3: {  	_ = 	snop  }
0x4: {  	_ = 	snop  }
0x5: {  	_ = 	snop  }
0x6: {  	_ = 	snop  }
0x7: {  	_ = 	snop  }
__scs_overlays_trampoline_lowered:
0x8: {  	[smem:$0x3FAD] =	sst s0  }
0x9: {  	[smem:$0x3FAE] =	sst s1  }
0xa: {  	[smem:$0x3FAF] =	sst s2  }
0xb: {  	[smem:$0x3FB0] =	sst s3  }
0xc: {  	[smem:$0x3FB1] =	sst s4  }
0xd: {  	[smem:$0x3FB2] =	sst s5  }
0xe: {  	[smem:$0x3FB3] =	sst s6  }
0xf: {  	[smem:$0x3FB4] =	sst s7  }
0x10: {  	[smem:$0x3FB5] =	sst s8  }
0x11: {  	[smem:$0x3FB6] =	sst s9;
	s0 =	simm.s32 @!p0 $0x0  }
0x12: {  	s1 =	sld [smem:$0x3F9C];
	s0 =	simm.s32 @p0 $0x1  }
0x13: {  	[smem:$0x3FB7] =	sst s0;
	s0 =	simm.s32 @!p1 $0x0  }
0x14: {  	s2 =	sld [smem:$0x3F9B];
	s0 =	simm.s32 @p1 $0x1  }
0x15: {  	[smem:$0x3FB8] =	sst s0;
	s0 =	simm.s32 @!p2 $0x0  }
0x16: {  	s3 =	sld [smem:$0x3FDB];
	s0 =	simm.s32 @p2 $0x1  }
0x17: {  	s4 =	simm.s32 $0x1BF5;
	[smem:$0x3FBA] =	sst s0  }
0x18: {  	s0 =	sld [smem:$0x3F9D];
	_ =	swait.ge [sflag:s4], $0x0  }
0x19: {  	s7 =	sld [smem:$0x3F9E]  }
0x1a: {  	s8 =	sadd.s32 $0xFFFFE003, lr  }
0x1b: {  	s9 =	sadd.s32 $0xFFFFFEF7, lr;
	s5 =	simm.s32 $0xFFFFFFFF;
	p2 =	slt.u32 s8, $0xFFFFF086  }
0x1c: {  	p1 =	slt.u32 s9, $0xF7A;
	s5 =	simm.s32 @!p2 $0x0  }
0x1d: {  	s5 =	simm.s32 @p1 $0x1;
	p0 =	seq.s32 s7, s2  }
0x1e: {  	s7 =	smul.u32 @!p0 $0xF7A, s2;
	p2 =	seq.s32 @!p0 s5, $0x0  }
0x1f: {  	s9 =	smul.u32 $0xF7A, s1;
	s8 =	simm.s32 @!p0 $0x1BF5;
	p2 =	por !p2, p0  }
0x20: {  	[sflag:s8] =	ssyncset.s32 @!p0 $0xFFFFF086;
	s6 =	sadd.s32 @!p0 s3, s7;
	s7 =	simm.s32 @!p0 $0x108  }
0x21: {  	s3 =	sadd.s32 s3, s9;
	s6 =	sadd.s32 @!p0 $0x88, s6;
	s7 =	simm.s32 @p2 $0x1082  }
0x22: {  	[simem:s7], [sflag:s8] =	dma.local @!p0 [hbm:s6], $0xF7A  }
0x23: {  	s9 =	sor.u32 $0xD0000000, s2;
	s6 =	simm.s32 $0x108;
	_ =	swait.ge @!p0 [sflag:s8], $0x0  }
0x24: {  	s3 =	sadd.s32 $0x88, s3;
	s6 =	simm.s32 @!p1 $0x1082;
	[sflag:s4] =	ssyncset.s32 $0xFFFFF086  }
0x25: {  	[simem:s6], [sflag:s4] =	dma.local [hbm:s3], $0xF7A  }
0x26: {  	[smem:$0x3F9E] =	sst s1;
	(tag) =	ssettag s2;
	_ =	strace s9  }
0x27: {  	s1 =	sld [smem:$0x3FAE]  }
0x28: {  	s2 =	sld [smem:$0x3FAF]  }
0x29: {  	s4 =	sld [smem:$0x3FB1]  }
0x2a: {  	p0 =	seq.s32 s5, $0x0;
	s5 =	sld [smem:$0x3FB2]  }
0x2b: {  	s6 =	sld [smem:$0x3FB3]  }
0x2c: {  	s7 =	sld [smem:$0x3FB4]  }
0x2d: {  	s3 =	simm.s32 $0x108;
	s8 =	sld [smem:$0x3FB5]  }
0x2e: {  	s3 =	simm.s32 @!p0 $0x1082;
	s9 =	sld [smem:$0x3FB6]  }
0x2f: {  	lr =	sadd.s32 s0, s3;
	s0 =	sld [smem:$0x3FAD]  }
0x30: {  	s3 =	sld [smem:$0x3FB0]  }
0x31: {  	[smem:$0x3FB9] =	sst s10  }
0x32: {  	s10 =	sld [smem:$0x3FB7];
	_ =	sdelay $0x3  }
0x33: {  	p0 =	seq.s32 s10, $0x1;
	s10 =	sld [smem:$0x3FB9];
	_ =	sdelay $0x3  }
0x34: {  	[smem:$0x3FB9] =	sst s10  }
0x35: {  	s10 =	sld [smem:$0x3FB8];
	_ =	sdelay $0x3  }
0x36: {  	p1 =	seq.s32 s10, $0x1;
	s10 =	sld [smem:$0x3FB9];
	_ =	sdelay $0x3  }
0x37: {  	[smem:$0x3FB9] =	sst s10  }
0x38: {  	s10 =	sld [smem:$0x3FBA]  }
0x39: {  	_ = 	snop;
	(pc) =	sbr.ind lr, $3  }
0x3a: {  	_ = 	snop  }
0x3b: {  	_ = 	snop  }
0x3c: {  	p2 =	seq.s32 s10, $0x1;
	s10 =	sld [smem:$0x3FB9]  }
0x3d: {  	_ =	shalt  }
0x3e: {  	_ =	shalt  }
0x3f: {  	_ =	shalt  }
0x40: {  	_ =	shalt  }
0x41: {  	_ =	shalt  }
0x42: {  	_ =	shalt  }
0x43: {  	_ =	shalt  }
0x44: {  	_ =	shalt  }
0x45: {  	_ =	shalt  }
0x46: {  	_ =	shalt  }
0x47: {  	_ =	shalt  }
0x48: {  	_ =	shalt  }
0x49: {  	_ =	shalt  }
0x4a: {  	_ =	shalt  }
0x4b: {  	_ =	shalt  }
0x4c: {  	_ =	shalt  }
0x4d: {  	_ =	shalt  }
0x4e: {  	_ =	shalt  }
0x4f: {  	_ =	shalt  }
0x50: {  	_ =	shalt  }
0x51: {  	_ =	shalt  }
0x52: {  	_ =	shalt  }
0x53: {  	_ =	shalt  }
0x54: {  	_ =	shalt  }
0x55: {  	_ =	shalt  }
0x56: {  	_ =	shalt  }
0x57: {  	_ =	shalt  }
0x58: {  	_ =	shalt  }
0x59: {  	_ =	shalt  }
0x5a: {  	_ =	shalt  }
0x5b: {  	_ =	shalt  }
0x5c: {  	_ =	shalt  }
0x5d: {  	_ =	shalt  }
0x5e: {  	_ =	shalt  }
0x5f: {  	_ =	shalt  }
0x60: {  	_ =	shalt  }
0x61: {  	_ =	shalt  }
0x62: {  	_ =	shalt  }
0x63: {  	_ =	shalt  }
0x64: {  	_ =	shalt  }
0x65: {  	_ =	shalt  }
0x66: {  	_ =	shalt  }
0x67: {  	_ =	shalt  }
0x68: {  	_ =	shalt  }
0x69: {  	_ =	shalt  }
0x6a: {  	_ =	shalt  }
0x6b: {  	_ =	shalt  }
0x6c: {  	_ =	shalt  }
0x6d: {  	_ =	shalt  }
0x6e: {  	_ =	shalt  }
0x6f: {  	_ =	shalt  }
0x70: {  	_ =	shalt  }
0x71: {  	_ =	shalt  }
0x72: {  	_ =	shalt  }
0x73: {  	_ =	shalt  }
0x74: {  	_ =	shalt  }
0x75: {  	_ =	shalt  }
0x76: {  	_ =	shalt  }
0x77: {  	_ =	shalt  }
0x78: {  	_ =	shalt  }
0x79: {  	_ =	shalt  }
0x7a: {  	_ =	shalt  }
0x7b: {  	_ =	shalt  }
0x7c: {  	_ =	shalt  }
0x7d: {  	_ =	shalt  }
0x7e: {  	_ =	shalt  }
0x7f: {  	_ =	shalt  }
0x80: {  	_ =	shalt  }
0x81: {  	_ =	shalt  }
0x82: {  	_ =	shalt  }
0x83: {  	_ =	shalt  }
0x84: {  	_ =	shalt  }
0x85: {  	_ =	shalt  }
0x86: {  	_ =	shalt  }
0x87: {  	_ =	shalt  }
.Lfunc_end0:
.L_simem_size_0:
called_computation_lowered:
.L_overlay_start_0:
0x88: {  	s2 =	sld [smem:$0x3FD9]  }
0x89: {  	s3 =	sld [smem:$0x3FFE];
	_ =	sdelay $0x1  }
0x8a: {  	s1 =	srdreg.scid  }
0x8b: {  	s0 =	sand.u32 $0x1, s1  }
0x8c: {  	s18 =	sshll.u32 s0, $0xA;
	s2 =	sadd.s32 s3, s2  }
0x8d: {  	s2 =	sadd.s32 s2, s18  }
0x8e: {  	[smem:$0x3FC5] =	sst s2  }
0x8f: {  	_ = 	snop  }
0x90: {  	s2 =	sld [smem:$0x3FC9]  }
0x91: {  	s19 =	sld [smem:$0x3FC8]  }
0x92: {  	s4 =	sld [smem:$0x3FC7]  }
0x93: {  	s5 =	sld [smem:$0x3FD0];
	(tm) =	ssettm $0x1  }
0x94: {  	s6 =	sld [smem:$0x3FFB];
	_ =	sdelay $0x3  }
0x95: {  	_ =	strace s6  }
0x96: {  	s6 =	sld [smem:$0x3FFC];
	_ =	sdelay $0x3  }
0x97: {  	_ =	strace s6  }
0x98: {  	s6 =	sld [smem:$0x3FFD];
	_ =	sdelay $0x3  }
0x99: {  	_ =	strace s6  }
0x9a: {  	_ =	strace $0x8FFFFFFF  }
0x9b: {  	s20 =	sld [smem:$0x3FDB];
	_ =	sdelay $0x1  }
0x9c: {  	s7 =	simm.s32 $_scs_section_size  }
0x9d: {  	s8 =	simm.s32 $_size__tile_overlayer_lowered;
	s9 =	simm.s32 $_tile_overlayer_lowered  }
0x9e: {  	s23 =	simm.s32 $0x1BFF;
	s22 =	sshll.u32 s9, $0x1;
	s6 =	sadd.s32 s7, s20  }
0x9f: {  	s10 =	simm.s32 $0x0;
	s21 =	sshll.u32 s8, $0x1;
	s8 =	sadd.s32 s22, s6  }
0xa0: {  	[timem:s10], [sflag:s23] =	dma.local [hbm:s8], s21  }
0xa1: {  	_ =	swait.ge [sflag:s23], s21  }
0xa2: {  	s7 =	ssub.s32 $0x0, s21;
	[sflag:s23] =	ssyncset.done $0x0  }
0xa3: {  	[sflag:s23] =	ssyncadd.s32 s7;
	_ =	sdelay $0x1  }
0xa4: {  	s24 =	simm.s32 $0x1B8B  }
0xa5: {  	_ =	swait.ge [sflag:s24], $0x1  }
0xa6: {  	[sflag:s24] =	ssyncset.done $0x0  }
0xa7: {  	s25 =	simm.s32 $0x1B8E;
	[sflag:s24] =	ssyncadd.s32 $0xFFFFFFFF  }
0xa8: {  	s26 =	simm.s32 $execute0_lowered;
	[smem:$0x3FD2] =	sst s25  }
0xa9: {  	s7 =	sshll.u32 s26, $0x1;
	_ =	strace $0x80000046;
	[dreg:$0x1] =	wrdreg $0xFFFFFFFF  }
0xaa: {  	s28 =	simm.s32 $_size_execute0_lowered;
	s6 =	sadd.s32 s6, s7;
	[dreg:$0x0] =	wrdreg $0x0  }
0xab: {  	s7 =	sshll.u32 s28, $0x1;
	[dreg:$0x2] =	wrdreg s6  }
0xac: {  	[dreg:$0x3] =	wrdreg s7  }
0xad: {  	[dreg:$0x4] =	wrdreg $0xC0  }
0xae: {  	_ =	task [dreg:s10], $0x5FFFF  }
0xaf: {  	[dreg:$0x1] =	wrdreg $0xFFFFFFFF  }
0xb0: {  	[dreg:$0x0] =	wrdreg $0x60  }
0xb1: {  	[dreg:$0x2] =	wrdreg s2  }
0xb2: {  	[dreg:$0x3] =	wrdreg s19  }
0xb3: {  	[dreg:$0x4] =	wrdreg s4  }
0xb4: {  	[dreg:$0x5] =	wrdreg s5  }
0xb5: {  	[dreg:$0x6] =	wrdreg $0x0  }
0xb6: {  	[dreg:$0x7] =	wrdreg $0x9  }
0xb7: {  	_ =	task.clear_ibuf [dreg:s10], $0x8FFFF;
	_ =	strace $0x90000046  }
0xb8: {  	s29 =	simm.s32 $0x9;
	_ =	strace $0x80000048  }
0xb9: {  	_ =	swait.ge [sflag:s29], $0x1  }
0xba: {  	[sflag:s29] =	ssyncadd.s32 $0xFFFFFFFF  }
0xbb: {  	_ =	strace $0x90000048  }
0xbc: {  	_ =	sfence  }
0xbd: {  	s30 =	sld [smem:$0x0];
	_ =	sdelay $0x2  }
0xbe: {  	s31 =	sshll.u32 s1, $0xD;
	s1 =	sshrl.u32 s1, $0x2  }
0xbf: {  	s3 =	sand.u32 $0x4000, s31;
	s1 =	sadd.s32 s1, s30  }
0xc0: {  	s0 =	sor.u32 s3, s0;
	s1 =	sshll.u32 s1, $0x11  }
0xc1: {  	s0 =	sor.u32 s1, s0  }
0xc2: {  	s0 =	sadd.s32 $0x8F2B, s0  }
0xc3: {  	[sflag:s0] =	ssyncadd.remote.s32 $0x1  }
0xc4: {  	_ =	sfence.sel $0xFFFF  }
0xc5: {  	[dreg:$0x0] =	wrdreg $0xFFFFFFFF;
	(pc) =	sbr.abs _section_cstart, $3  }
0xc6: {  	[dreg:$0x1] =	wrdreg $0xFFFFFFFF  }
0xc7: {  	_ =	task.clear_ibuf [dreg:s10], $0x2FFFF;
	_ =	strace $0x9FFFFFFF  }
0xc8: {  	(tm) =	ssettm $0x7FFFFFFF  }
0xc9: {  	_ =	shalt  }
tec
execute0_lowered:
.L_overlay_start_1:
0x0: {  	(tag) =	ssettag $0x1  }
0x1: {  	s15 =	rddreg [dreg:$0x0]  }
0x2: {  	s1 =	rddreg [dreg:$0x1]  }
0x3: {  	s3 =	rddreg [dreg:$0x2]  }
0x4: {  	s16 =	rddreg [dreg:$0x3]  }
0x5: {  	s4 =	rddreg [dreg:$0x4];
	s2 =	stileid.u32  }
0x6: {  	s0 =	rddreg [dreg:$0x5];
	s5 =	simm.s32 $0x0;
	s7 =	smul.u32 $0x50000, s2  }
0x7: {  	s6 =	srdreg.scid;
	s22 =	simm.s32 $0x80;
	s11 =	smul.u32 $0x14000, s2  }
0x8: {  	s23 =	simm.s32 $0x0;
	s14 =	sand.u32 $0x1, s6;
	s21 =	smul.u32 $0x9E0, s2  }
0x9: {  	[smem:$0x7FF] =	sst s5;
	s6 =	ssub.s32 $0x2, s14;
	s19 =	smul.u32 $0x140000, s14  }
0xa: {  	_ =	strace $0x80000047;
	s29 =	smul.u32 $0x4F0, s14;
	s8 =	sshrl.u32 s6, $0x1  }
0xb: {  	s7 =	sshrl.u32 s7, $0x2;
	s12 =	sadd.s32 $0x4000, s11;
	s13 =	sadd.s32 $0x8000, s11  }
0xc: {  	s18 =	sadd.s32 $0xC000, s11;
	s20 =	sadd.s32 $0x10000, s11;
	s31 =	sadd.s32 s21, s15  }
0xd: {  	s21 =	simm.s32 $0x14000;
	s17 =	ssub.s32 s6, s8;
	s6 =	sadd.s32 s7, s4  }
0xe: {  	s7 =	sadd.s32 s12, s4;
	s8 =	sadd.s32 s13, s4;
	s9 =	sadd.s32 s18, s4  }
0xf: {  	s10 =	sadd.s32 s20, s4;
	s11 =	sadd.s32 s11, s19;
	s12 =	sadd.s32 s19, s12  }
0x10: {  	s13 =	sadd.s32 s19, s13;
	s18 =	sadd.s32 s19, s18;
	s19 =	sadd.s32 s19, s20  }
0x11: {  	s20 =	simm.s32 $0x14080;
	s11 =	sshrl.u32 s11, $0x3;
	s12 =	sshrl.u32 s12, $0x3  }
0x12: {  	s13 =	sshrl.u32 s13, $0x3;
	s18 =	sshrl.u32 s18, $0x3;
	s30 =	sshrl.u32 s19, $0x3  }
0x13: {  	s19 =	simm.s32 $0x1;
	s11 =	sadd.s32 s16, s11;
	s12 =	sadd.s32 s16, s12  }
0x14: {  	s13 =	sadd.s32 s16, s13;
	s14 =	sadd.s32 s16, s18;
	s15 =	sadd.s32 s16, s30  }
0x15: {  	s16 =	smax.u32 s17, $0x1;
	s17 =	sadd.s32 s29, s31;
	s18 =	simm.s32 $0x18080  }
.LBB2_1:
0x16: {  	[tilespmem:s18], [sflag:$0x1] =	stream.linear.gather [hbm4b:s3+s5], $0x4000, $0x38;
	[tilespmem:$0x1C080] =	vst v63  }
0x17: {  	_ =	swait.ge [sflag:s19], $0x4000  }
0x18: {  	[sflag:s19] =	ssyncset.done $0x0  }
0x19: {  	[sflag:s19] =	ssyncadd.s32 $0xFFFFC000  }
0x1a: {  	[spmem:s6] =	stream.linear.scatter [tilespmem:s18], [sflag:$0x1], $0x4000, $0x38;
	[tilespmem:$0x1C080] =	vst v63  }
0x1b: {  	_ =	swait.ge [sflag:s19], $0x4000  }
0x1c: {  	[sflag:s19] =	ssyncset.done $0x0  }
0x1d: {  	[sflag:s19] =	ssyncadd.s32 $0xFFFFC000  }
0x1e: {  	[spmem:s7] =	stream.linear.scatter [tilespmem:s18], [sflag:$0x1], $0x4000, $0x38;
	[tilespmem:$0x1C080] =	vst v63  }
0x1f: {  	_ =	swait.ge [sflag:s19], $0x4000  }
0x20: {  	[sflag:s19] =	ssyncset.done $0x0  }
0x21: {  	[sflag:s19] =	ssyncadd.s32 $0xFFFFC000  }
0x22: {  	[spmem:s8] =	stream.linear.scatter [tilespmem:s18], [sflag:$0x1], $0x4000, $0x38;
	[tilespmem:$0x1C080] =	vst v63  }
0x23: {  	_ =	swait.ge [sflag:s19], $0x4000  }
0x24: {  	[sflag:s19] =	ssyncset.done $0x0  }
0x25: {  	[sflag:s19] =	ssyncadd.s32 $0xFFFFC000  }
0x26: {  	[spmem:s9] =	stream.linear.scatter [tilespmem:s18], [sflag:$0x1], $0x4000, $0x38;
	[tilespmem:$0x1C080] =	vst v63  }
0x27: {  	_ =	swait.ge [sflag:s19], $0x4000  }
0x28: {  	[sflag:s19] =	ssyncset.done $0x0  }
0x29: {  	[sflag:s19] =	ssyncadd.s32 $0xFFFFC000  }
0x2a: {  	[spmem:s10] =	stream.linear.scatter [tilespmem:s18], [sflag:$0x1], $0x4000, $0x38;
	[tilespmem:$0x1C080] =	vst v63  }
0x2b: {  	_ =	swait.ge [sflag:s19], $0x4000  }
0x2c: {  	[sflag:s19] =	ssyncset.done $0x0  }
0x2d: {  	[sflag:s19] =	ssyncadd.s32 $0xFFFFC000  }
0x2e: {  	[tilespmem:s20], [sflag:$0x1] =	stream.linear.gather [hbm4b:s1+s5], $0x4000, $0x38;
	[tilespmem:$0x1C080] =	vst v63  }
0x2f: {  	_ =	swait.ge [sflag:s19], $0x4000  }
0x30: {  	[sflag:s19] =	ssyncset.done $0x0  }
0x31: {  	[sflag:s19] =	ssyncadd.s32 $0xFFFFC000  }
0x32: {  	s24 =	sadd.s32 $0x0, s17;
	[bflag:$0x0] =	sbarrier.arrive $0xFFFF  }
0x33: {  	[tilespmem:s21], [sflag:$0x1] =	stream.linear.gather [hbm4b:s24+s5], $0x80, $0x38;
	[tilespmem:$0x1C080] =	vst v63  }
0x34: {  	_ =	swait.ge [sflag:s19], $0x80  }
0x35: {  	[sflag:s19] =	ssyncset.done $0x0  }
0x36: {  	[sflag:s19] =	ssyncadd.s32 $0xFFFFFF80  }
0x37: {  	[spmem:s4] =	stream.indirect.scatter.add.f32 [tilespmem:s20], [sflag:$0x1], $0x80, s21, s22, $0xb8;
	[tilespmem:$0x1C080] =	vst v63  }
0x38: {  	_ =	swait.ge [sflag:s19], $0x4000  }
0x39: {  	s25 =	simm.s32 $0x20;
	s24 =	simm.s32 $0x10;
	[sflag:s19] =	ssyncset.done $0x0  }
.LBB2_2:
0x3a: {  	s26 =	sadd.s32 s24, s17  }
0x3b: {  	[sflag:s19] =	ssyncadd.s32 $0xFFFFC000;
	s24 =	smov.u32 s25;
	s28 =	sadd.s32 $0x10, s25  }
0x3c: {  	[tilespmem:s21], [sflag:$0x1] =	stream.linear.gather [hbm4b:s26+s5], $0x80, $0x38;
	[tilespmem:$0x1C080] =	vst v63  }
0x3d: {  	p0 =	sne.s32 s25, $0x4E0;
	_ =	swait.ge [sflag:s19], $0x80  }
.Ltmp0:
0x3e: {  	[sflag:s19] =	ssyncset.done $0x0;
	(pc) =	sbr.rel @p0 .LBB2_2-.Ltmp0, $4  }
0x3f: {  	[sflag:s19] =	ssyncadd.s32 $0xFFFFFF80  }
0x40: {  	[spmem:s4] =	stream.indirect.scatter.add.f32 [tilespmem:s20], [sflag:$0x1], $0x80, s21, s22, $0xb8;
	[tilespmem:$0x1C080] =	vst v63  }
0x41: {  	_ =	swait.ge [sflag:s19], $0x4000  }
0x42: {  	s25 =	smov.u32 s28;
	[sflag:s19] =	ssyncset.done $0x0  }
0x43: {  	s24 =	sadd.s32 s24, s17;
	[sflag:s19] =	ssyncadd.s32 $0xFFFFC000  }
0x44: {  	[tilespmem:s21], [sflag:$0x1] =	stream.linear.gather [hbm4b:s24+s5], $0x80, $0x38;
	[tilespmem:$0x1C080] =	vst v63  }
0x45: {  	_ =	swait.ge [sflag:s19], $0x80  }
0x46: {  	[sflag:s19] =	ssyncset.done $0x0  }
0x47: {  	[sflag:s19] =	ssyncadd.s32 $0xFFFFFF80  }
0x48: {  	[spmem:s4] =	stream.indirect.scatter.add.f32 [tilespmem:s20], [sflag:$0x1], $0x80, s21, s22, $0xb8;
	[tilespmem:$0x1C080] =	vst v63  }
0x49: {  	_ =	swait.ge [sflag:s19], $0x4000  }
0x4a: {  	[sflag:s19] =	ssyncset.done $0x0  }
0x4b: {  	[sflag:s19] =	ssyncadd.s32 $0xFFFFC000  }
0x4c: {  	[bflag:$0x0] =	sbarrier.arrive $0xFFFF  }
0x4d: {  	[tilespmem:s18], [sflag:$0x1] =	stream.linear.gather [spmem:s6], $0x4000, $0x38;
	[tilespmem:$0x1C080] =	vst v63  }
0x4e: {  	_ =	swait.ge [sflag:s19], $0x4000  }
0x4f: {  	[sflag:s19] =	ssyncset.done $0x0  }
0x50: {  	[sflag:s19] =	ssyncadd.s32 $0xFFFFC000  }
0x51: {  	[hbm4b:s11+s5] =	stream.linear.scatter [tilespmem:s18], [sflag:$0x1], $0x4000, $0x38;
	[tilespmem:$0x1C080] =	vst v63  }
0x52: {  	_ =	swait.ge [sflag:s19], $0x4000  }
0x53: {  	[sflag:s19] =	ssyncset.done $0x0  }
0x54: {  	[sflag:s19] =	ssyncadd.s32 $0xFFFFC000  }
0x55: {  	[tilespmem:s18], [sflag:$0x1] =	stream.linear.gather [spmem:s7], $0x4000, $0x38;
	[tilespmem:$0x1C080] =	vst v63  }
0x56: {  	_ =	swait.ge [sflag:s19], $0x4000  }
0x57: {  	[sflag:s19] =	ssyncset.done $0x0  }
0x58: {  	[sflag:s19] =	ssyncadd.s32 $0xFFFFC000  }
0x59: {  	[hbm4b:s12+s5] =	stream.linear.scatter [tilespmem:s18], [sflag:$0x1], $0x4000, $0x38;
	[tilespmem:$0x1C080] =	vst v63  }
0x5a: {  	_ =	swait.ge [sflag:s19], $0x4000  }
0x5b: {  	[sflag:s19] =	ssyncset.done $0x0  }
0x5c: {  	[sflag:s19] =	ssyncadd.s32 $0xFFFFC000  }
0x5d: {  	[tilespmem:s18], [sflag:$0x1] =	stream.linear.gather [spmem:s8], $0x4000, $0x38;
	[tilespmem:$0x1C080] =	vst v63  }
0x5e: {  	_ =	swait.ge [sflag:s19], $0x4000  }
0x5f: {  	[sflag:s19] =	ssyncset.done $0x0  }
0x60: {  	[sflag:s19] =	ssyncadd.s32 $0xFFFFC000  }
0x61: {  	[hbm4b:s13+s5] =	stream.linear.scatter [tilespmem:s18], [sflag:$0x1], $0x4000, $0x38;
	[tilespmem:$0x1C080] =	vst v63  }
0x62: {  	_ =	swait.ge [sflag:s19], $0x4000  }
0x63: {  	[sflag:s19] =	ssyncset.done $0x0  }
0x64: {  	[sflag:s19] =	ssyncadd.s32 $0xFFFFC000  }
0x65: {  	[tilespmem:s18], [sflag:$0x1] =	stream.linear.gather [spmem:s9], $0x4000, $0x38;
	[tilespmem:$0x1C080] =	vst v63  }
0x66: {  	_ =	swait.ge [sflag:s19], $0x4000  }
0x67: {  	[sflag:s19] =	ssyncset.done $0x0  }
0x68: {  	[sflag:s19] =	ssyncadd.s32 $0xFFFFC000  }
0x69: {  	[hbm4b:s14+s5] =	stream.linear.scatter [tilespmem:s18], [sflag:$0x1], $0x4000, $0x38;
	[tilespmem:$0x1C080] =	vst v63  }
0x6a: {  	_ =	swait.ge [sflag:s19], $0x4000  }
0x6b: {  	[sflag:s19] =	ssyncset.done $0x0  }
0x6c: {  	[sflag:s19] =	ssyncadd.s32 $0xFFFFC000  }
0x6d: {  	[tilespmem:s18], [sflag:$0x1] =	stream.linear.gather [spmem:s10], $0x4000, $0x38;
	[tilespmem:$0x1C080] =	vst v63  }
0x6e: {  	s23 =	sadd.s32 $0x1, s23;
	_ =	swait.ge [sflag:s19], $0x4000  }
0x6f: {  	p0 =	sne.s32 s23, s16;
	[sflag:s19] =	ssyncset.done $0x0  }
.Ltmp1:
0x70: {  	[sflag:s19] =	ssyncadd.s32 $0xFFFFC000;
	(pc) =	sbr.rel @p0 .LBB2_1-.Ltmp1, $4  }
0x71: {  	[hbm4b:s15+s5] =	stream.linear.scatter [tilespmem:s18], [sflag:$0x1], $0x4000, $0x38;
	[tilespmem:$0x1C080] =	vst v63  }
0x72: {  	_ =	swait.ge [sflag:s19], $0x4000  }
0x73: {  	[sflag:s19] =	ssyncset.done $0x0  }
0x74: {  	[sflag:s19] =	ssyncadd.s32 $0xFFFFC000  }
0x75: {  	_ =	sfence.sel $0x180000  }
0x76: {  	[bflag:$0x0] =	sbarrier.arrive $0xFFFF  }
0x77: {  	p0 =	sne.s32 s2, $0x0;
	_ =	strace $0x90000047  }
0x78: {  	s0 =	sadd.s32 @!p0 $0x100000, s0;
	[bflag:$0x2] =	sbarrier.arrive $0xFFFF  }
0x79: {  	[sflag:s0] =	ssyncadd.tile.s32 @!p0 $0x1;
	_ =	shalt  }
.Lfunc_end2:
_tile_overlayer_lowered:
.L_overlay_start_2:
0x7a: {  	(tag) =	ssettag $0x2  }
0x7b: {  	s0 =	rddreg [dreg:$0x0];
	s2 =	stileid.u32  }
0x7c: {  	s1 =	rddreg [dreg:$0x1];
	p0 =	sne.s32 s2, $0x0  }
0x7d: {  	s3 =	rddreg [dreg:$0x2];
	[bflag:$0x3] =	sbarrier.arrive $0xFFFF;
	s2 =	simm.s32 @!p0 $0x1C01  }
0x7e: {  	[timem:s3], [sflag:s2] =	dma.local @!p0 [hbm:s0], s1  }
0x7f: {  	s0 =	simm.s32 @!p0 $0x1  }
0x80: {  	_ =	swait.ge @!p0 [sflag:s0], s1  }
0x81: {  	s1 =	ssub.s32 @!p0 $0x0, s1;
	[sflag:s0] =	ssyncset.done @!p0 $0x0  }
0x82: {  	[sflag:s0] =	ssyncadd.s32 @!p0 s1  }
0x83: {  	[bflag:$0x3] =	sbarrier.arrive $0xFFFF  }
0x84: {  	_ =	shalt  }

</sc_bundles>
